<compile_context>
chip_gen: v7x
topology: tpu7x:2x2x1
jax: 0.10.2.dev20260603
libtpu: 0.0.44.dev20260713+nightly
codegen_flags: <defaults>
</compile_context>

<pallas_src>
import functools

import jax
import jax.numpy as jnp
from jax import lax
from jax.experimental import pallas as pl
from jax.experimental.pallas import tpu as pltpu
from jax.experimental.pallas import tpu_sc as plsc


def _project_body(wt_ref, z_ref, p_ref):
    wd = wt_ref[1:2, :] - wt_ref[0:1, :]
    p_ref[...] = lax.dot_general(
        wd, z_ref[...], (((1,), (1,)), ((), ())),
        preferred_element_type=jnp.float32,
    )


def _edge_body(p_hbm, ei_hbm, out_hbm, p_v, src_v, dst_v, out_v,
               sem, *, e_per, e_tot, nc):
    wid = lax.axis_index("s") * nc + lax.axis_index("c")
    base = wid * e_per

    cp_p = pltpu.async_copy(p_hbm, p_v, sem)
    cp_s = pltpu.async_copy(ei_hbm.at[pl.ds(base, e_per)], src_v, sem)
    cp_d = pltpu.async_copy(ei_hbm.at[pl.ds(e_tot + base, e_per)], dst_v, sem)
    cp_p.wait()
    cp_s.wait()
    cp_d.wait()

    row0 = jnp.zeros((16,), jnp.int32)

    def win(off):
        si = src_v[pl.ds(off, 16)]
        di = dst_v[pl.ds(off, 16)]
        ps = plsc.load_gather(p_v, [row0, si])
        pd = plsc.load_gather(p_v, [row0, di])
        out_v[pl.ds(off, 16)] = 1.0 / (1.0 + jnp.exp(pd - ps))

    @plsc.parallel_loop(0, e_per // 16, unroll=8)
    def _(i):
        win(i * 16)

    if e_per % 16:
        win(e_per - 16)

    pltpu.sync_copy(out_v, out_hbm.at[pl.ds(base, e_per)])


@jax.jit
def kernel(z, edge_index, weight):
    n, d = z.shape
    e = edge_index.shape[1]

    p2 = pl.pallas_call(
        _project_body,
        out_shape=jax.ShapeDtypeStruct((1, n), jnp.float32),
    )(weight.T, z)

    info = plsc.get_sparse_core_info()
    nc = 1
    nw = nc * info.num_subcores
    e_per = e // nw

    mesh = plsc.VectorSubcoreMesh(
        core_axis_name="c", subcore_axis_name="s", num_cores=nc)
    edge_fn = pl.kernel(
        functools.partial(_edge_body, e_per=e_per, e_tot=e, nc=nc),
        mesh=mesh,
        out_type=jax.ShapeDtypeStruct((e,), jnp.float32),
        compiler_params=pltpu.CompilerParams(needs_layout_passes=False),
        scratch_types=[
            pltpu.VMEM((1, n), jnp.float32),
            pltpu.VMEM((e_per,), jnp.int32),
            pltpu.VMEM((e_per,), jnp.int32),
            pltpu.VMEM((e_per,), jnp.float32),
            pltpu.SemaphoreType.DMA,
        ],
    )
    ei_flat = edge_index.astype(jnp.int32).reshape(2 * e)
    return edge_fn(p2, ei_flat)

# --- scband reference (transcript-rebuilt; emitter-appended) ---
"""Pipeline reference for scband-edge-decoder-77799037599910 (READ-ONLY COPY).

The authoritative reference and input builder live on the scoring server;
editing this copy changes nothing except your own understanding.
"""

import jax, jax.numpy as jnp
import numpy as np
import math


def setup_inputs(seed: int = 0) -> dict:
    key = jax.random.key(seed)
    k1, k2, k3 = jax.random.split(key, 3)
    N, d, E = 10000, 256, 160000
    z = jax.random.normal(k1, (N, d), dtype=jnp.float32)
    edge_index = jax.random.randint(k2, (2, E), 0, N)
    # glorot uniform init for weight [in_channels, 2]
    stdv = math.sqrt(6.0 / (d + 2))
    weight = jax.random.uniform(k3, (d, 2), minval=-stdv, maxval=stdv, dtype=jnp.float32)
    return {"z": z, "edge_index": edge_index, "weight": weight}


def reference(z, edge_index, weight):
    # value = (z[edge_index[0]] - z[edge_index[1]]) @ W  (gather on both src and dst)
    src = jnp.take(z, edge_index[0], axis=0)
    dst = jnp.take(z, edge_index[1], axis=0)
    value = (src - dst) @ weight
    # sigmoid=True branch: softmax over the 2 logits, take class-1 prob
    return jax.nn.softmax(value, axis=1)[:, 1]

if __name__ == "__main__":
    import jax
    _d = setup_inputs()
    print(jax.jit(kernel)(*tuple(_d.values())))

</pallas_src>

<mosaic_0001>
#map = affine_map<(d0, d1) -> (0, 0)>
#map1 = affine_map<(d0, d1) -> (0)>
module attributes {stable_mosaic.version = 14 : i64} {
  func.func @_edge_body(%arg0: i32, %arg1: i32, %arg2: memref<1x10000xf32, #tpu.memory_space<hbm>>, %arg3: memref<320000xi32, #tpu.memory_space<hbm>>, %arg4: memref<160000xf32, #tpu.memory_space<hbm>>, %arg5: memref<1x10000xf32, #tpu.memory_space<vmem>>, %arg6: memref<10000xi32, #tpu.memory_space<vmem>>, %arg7: memref<10000xi32, #tpu.memory_space<vmem>>, %arg8: memref<10000xf32, #tpu.memory_space<vmem>>, %arg9: memref<!tpu.dma_semaphore, #tpu.memory_space<semaphore_mem>>) attributes {dimension_semantics = [#tpu.dimension_semantics<core_parallel>, #tpu.dimension_semantics<subcore_parallel>], iteration_bounds = array<i64: 1, 16>, scalar_prefetch = 0 : i64, scratch_operands = 5 : i64, tpu.core_type = #tpu.core_type<sc_vector_subcore>, window_params = [{transform_indices = #map}, {transform_indices = #map1}, {transform_indices = #map1}]} {
    %mul3A = arith.constant 1 : i32
    %mul3A_0 = arith.muli %arg1, %mul3A : i32
    %add3A = arith.addi %mul3A_0, %arg0 : i32
    %mul3A_1 = arith.constant 10000 : i32
    %mul3A_2 = arith.muli %add3A, %mul3A_1 : i32
    tpu.enqueue_dma source(%arg2 : memref<1x10000xf32, #tpu.memory_space<hbm>>) target(%arg5 : memref<1x10000xf32, #tpu.memory_space<vmem>>) target_semaphore(%arg9 : memref<!tpu.dma_semaphore, #tpu.memory_space<semaphore_mem>>)
    %dma_start3A = tpu.memref_slice %arg3[%mul3A_2] : memref<320000xi32, #tpu.memory_space<hbm>> -> memref<10000xi32, #tpu.memory_space<hbm>>
    %dma_start3A_3 = tpu.memref_slice %arg3[%mul3A_2] : memref<320000xi32, #tpu.memory_space<hbm>> -> memref<10000xi32, #tpu.memory_space<hbm>>
    tpu.enqueue_dma source(%dma_start3A_3 : memref<10000xi32, #tpu.memory_space<hbm>>) target(%arg6 : memref<10000xi32, #tpu.memory_space<vmem>>) target_semaphore(%arg9 : memref<!tpu.dma_semaphore, #tpu.memory_space<semaphore_mem>>)
    %add3A_4 = arith.constant 160000 : i32
    %add3A_5 = arith.addi %add3A_4, %mul3A_2 : i32
    %dma_start3A_6 = tpu.memref_slice %arg3[%add3A_5] : memref<320000xi32, #tpu.memory_space<hbm>> -> memref<10000xi32, #tpu.memory_space<hbm>>
    %dma_start3A_7 = tpu.memref_slice %arg3[%add3A_5] : memref<320000xi32, #tpu.memory_space<hbm>> -> memref<10000xi32, #tpu.memory_space<hbm>>
    tpu.enqueue_dma source(%dma_start3A_7 : memref<10000xi32, #tpu.memory_space<hbm>>) target(%arg7 : memref<10000xi32, #tpu.memory_space<vmem>>) target_semaphore(%arg9 : memref<!tpu.dma_semaphore, #tpu.memory_space<semaphore_mem>>)
    tpu.wait_dma2 semaphore(%arg9 : memref<!tpu.dma_semaphore, #tpu.memory_space<semaphore_mem>>) src(%arg2 : memref<1x10000xf32, #tpu.memory_space<hbm>>) dst(%arg5 : memref<1x10000xf32, #tpu.memory_space<vmem>>)
    %dma_wait3A = tpu.memref_slice %arg3[%mul3A_2] : memref<320000xi32, #tpu.memory_space<hbm>> -> memref<10000xi32, #tpu.memory_space<hbm>>
    %dma_wait3A_8 = tpu.memref_slice %arg3[%mul3A_2] : memref<320000xi32, #tpu.memory_space<hbm>> -> memref<10000xi32, #tpu.memory_space<hbm>>
    tpu.wait_dma2 semaphore(%arg9 : memref<!tpu.dma_semaphore, #tpu.memory_space<semaphore_mem>>) src(%dma_wait3A_8 : memref<10000xi32, #tpu.memory_space<hbm>>) dst(%arg6 : memref<10000xi32, #tpu.memory_space<vmem>>)
    %dma_wait3A_9 = tpu.memref_slice %arg3[%add3A_5] : memref<320000xi32, #tpu.memory_space<hbm>> -> memref<10000xi32, #tpu.memory_space<hbm>>
    %dma_wait3A_10 = tpu.memref_slice %arg3[%add3A_5] : memref<320000xi32, #tpu.memory_space<hbm>> -> memref<10000xi32, #tpu.memory_space<hbm>>
    tpu.wait_dma2 semaphore(%arg9 : memref<!tpu.dma_semaphore, #tpu.memory_space<semaphore_mem>>) src(%dma_wait3A_10 : memref<10000xi32, #tpu.memory_space<hbm>>) dst(%arg7 : memref<10000xi32, #tpu.memory_space<vmem>>)
    %broadcast_in_dim3A = arith.constant 0 : i32
    %broadcast_in_dim3A_11 = vector.broadcast %broadcast_in_dim3A : i32 to vector<16xi32>
    %parallel_loop3A = arith.constant 0 : i32
    %parallel_loop3A_12 = arith.constant 625 : i32
    %parallel_loop3A_13 = arith.constant 1 : i32
    scf.for %parallel_loop3A_14 = %parallel_loop3A to %parallel_loop3A_12 step %parallel_loop3A_13  : i32 {
      %parallel_loop3A_15 = arith.constant 16 : i32
      %parallel_loop3A_16 = arith.muli %parallel_loop3A_14, %parallel_loop3A_15 : i32
      %parallel_loop3A_17 = arith.index_cast %parallel_loop3A_16 : i32 to index
      %parallel_loop3A_18 = tpu.vector_load %arg6[%parallel_loop3A_17] {strides = array<i32>} : memref<10000xi32, #tpu.memory_space<vmem>>, vector<16xi32>,
      %parallel_loop3A_19 = arith.index_cast %parallel_loop3A_16 : i32 to index
      %parallel_loop3A_20 = tpu.vector_load %arg7[%parallel_loop3A_19] {strides = array<i32>} : memref<10000xi32, #tpu.memory_space<vmem>>, vector<16xi32>,
      %parallel_loop3A_21 = tpu.vector_load_idx %arg5[%broadcast_in_dim3A_11, %parallel_loop3A_18] : memref<1x10000xf32, #tpu.memory_space<vmem>>[vector<16xi32>, vector<16xi32>], vector<16xf32>,
      %parallel_loop3A_22 = tpu.vector_load_idx %arg5[%broadcast_in_dim3A_11, %parallel_loop3A_20] : memref<1x10000xf32, #tpu.memory_space<vmem>>[vector<16xi32>, vector<16xi32>], vector<16xf32>,
      %parallel_loop3A_23 = arith.subf %parallel_loop3A_22, %parallel_loop3A_21 : vector<16xf32>
      %parallel_loop3A_24 = math.exp %parallel_loop3A_23 : vector<16xf32>
      %parallel_loop3A_25 = arith.constant 1.000000e+00 : f32
      %parallel_loop3A_26 = vector.broadcast %parallel_loop3A_25 : f32 to vector<16xf32>
      %parallel_loop3A_27 = arith.addf %parallel_loop3A_26, %parallel_loop3A_24 : vector<16xf32>
      %parallel_loop3A_28 = arith.constant 1.000000e+00 : f32
      %parallel_loop3A_29 = vector.broadcast %parallel_loop3A_28 : f32 to vector<16xf32>
      %parallel_loop3A_30 = arith.divf %parallel_loop3A_29, %parallel_loop3A_27 : vector<16xf32>
      %parallel_loop3A_31 = arith.index_cast %parallel_loop3A_16 : i32 to index
      %parallel_loop3A_32 = tpu.vector_load %arg8[%parallel_loop3A_31] {strides = array<i32>} : memref<10000xf32, #tpu.memory_space<vmem>>, vector<16xf32>,
      tpu.vector_store %arg8[%parallel_loop3A_31], %parallel_loop3A_30 {strides = array<i32>} : memref<10000xf32, #tpu.memory_space<vmem>>, vector<16xf32>,
    } {sc.loop_unroll_factor = 8 : i64, sc.parallel_access}
    "tpu.region"() ({
      %run_scoped3A = tpu.sem_alloc : memref<!tpu.dma_semaphore, #tpu.memory_space<semaphore_mem>>
      %dma_start3A_14 = tpu.memref_slice %arg4[%mul3A_2] : memref<160000xf32, #tpu.memory_space<hbm>> -> memref<10000xf32, #tpu.memory_space<hbm>>
      %dma_start3A_15 = tpu.memref_slice %arg4[%mul3A_2] : memref<160000xf32, #tpu.memory_space<hbm>> -> memref<10000xf32, #tpu.memory_space<hbm>>
      tpu.enqueue_dma source(%arg8 : memref<10000xf32, #tpu.memory_space<vmem>>) target(%dma_start3A_15 : memref<10000xf32, #tpu.memory_space<hbm>>) target_semaphore(%run_scoped3A : memref<!tpu.dma_semaphore, #tpu.memory_space<semaphore_mem>>)
      %dma_wait3A_16 = tpu.memref_slice %arg4[%mul3A_2] : memref<160000xf32, #tpu.memory_space<hbm>> -> memref<10000xf32, #tpu.memory_space<hbm>>
      %dma_wait3A_17 = tpu.memref_slice %arg4[%mul3A_2] : memref<160000xf32, #tpu.memory_space<hbm>> -> memref<10000xf32, #tpu.memory_space<hbm>>
      tpu.wait_dma2 semaphore(%run_scoped3A : memref<!tpu.dma_semaphore, #tpu.memory_space<semaphore_mem>>) src(%arg8 : memref<10000xf32, #tpu.memory_space<vmem>>) dst(%dma_wait3A_17 : memref<10000xf32, #tpu.memory_space<hbm>>)
      tpu.yield
    }) : () -> ()
    return
  }
}

module attributes {stable_mosaic.version = 14 : i64} {
  func.func @_project_body(%arg0: memref<2x256xf32, #tpu.memory_space<vmem>>, %arg1: memref<10000x256xf32, #tpu.memory_space<vmem>>, %arg2: memref<1x10000xf32, #tpu.memory_space<vmem>>) attributes {dimension_semantics = [], scalar_prefetch = 0 : i64, scratch_operands = 0 : i64, tpu.core_type = #tpu.core_type<tc>} {
    %get3A = arith.constant 1 : index
    %get3A_0 = arith.constant 0 : index
    %get3A_1 = vector.load %arg0[%get3A, %get3A_0] : memref<2x256xf32, #tpu.memory_space<vmem>>, vector<1x256xf32>
    %get3A_2 = arith.constant 0 : index
    %get3A_3 = arith.constant 0 : index
    %get3A_4 = vector.load %arg0[%get3A_2, %get3A_3] : memref<2x256xf32, #tpu.memory_space<vmem>>, vector<1x256xf32>
    %sub3A = arith.subf %get3A_1, %get3A_4 : vector<1x256xf32>
    %get3A_5 = arith.constant 0 : index
    %get3A_6 = arith.constant 0 : index
    %get3A_7 = vector.load %arg1[%get3A_5, %get3A_6] : memref<10000x256xf32, #tpu.memory_space<vmem>>, vector<10000x256xf32>
    %dot_general3A = arith.constant dense<0.000000e+00> : vector<1x10000xf32>
    %dot_general3A_8 = tpu.matmul %sub3A, %get3A_7, %dot_general3A {dimension_numbers = #tpu.dot_dimension_numbers<[1], [1], [0], [0], [0, 0, 1, 0], [], []>, transpose_lhs_hint = false} : vector<1x256xf32>, vector<10000x256xf32>, vector<1x10000xf32> -> vector<1x10000xf32>
    %swap3A = arith.constant 0 : index
    %swap3A_9 = arith.constant 0 : index
    %swap3A_10 = vector.load %arg2[%swap3A, %swap3A_9] : memref<1x10000xf32, #tpu.memory_space<vmem>>, vector<1x10000xf32>
    tpu.vector_store %arg2[%swap3A, %swap3A_9], %dot_general3A_8 {strides = array<i32>} : memref<1x10000xf32, #tpu.memory_space<vmem>>, vector<1x10000xf32>,
    return
  }
}

</mosaic_0001>

<sc_bundles>
// kernel: kernel.4.cloned.1.call-start
scs
__scs_entry_jumppad:
0x0: {  	(pc) =	sbr.rel $0x88, $3  }
0x1: {  	(tag) =	ssettag $0x0;
	lr =	simm.s32 $0x1  }
0x2: {  	[smem:$0x3F9E] =	sst lr;
	_ =	strace $0xD0000000  }
0x3: {  	_ = 	snop  }
0x4: {  	_ = 	snop  }
0x5: {  	_ = 	snop  }
0x6: {  	_ = 	snop  }
0x7: {  	_ = 	snop  }
__scs_overlays_trampoline_lowered:
0x8: {  	[smem:$0x3FAD] =	sst s0  }
0x9: {  	[smem:$0x3FAE] =	sst s1  }
0xa: {  	[smem:$0x3FAF] =	sst s2  }
0xb: {  	[smem:$0x3FB0] =	sst s3  }
0xc: {  	[smem:$0x3FB1] =	sst s4  }
0xd: {  	[smem:$0x3FB2] =	sst s5  }
0xe: {  	[smem:$0x3FB3] =	sst s6  }
0xf: {  	[smem:$0x3FB4] =	sst s7  }
0x10: {  	[smem:$0x3FB5] =	sst s8  }
0x11: {  	[smem:$0x3FB6] =	sst s9;
	s0 =	simm.s32 @!p0 $0x0  }
0x12: {  	s1 =	sld [smem:$0x3F9C];
	s0 =	simm.s32 @p0 $0x1  }
0x13: {  	[smem:$0x3FB7] =	sst s0;
	s0 =	simm.s32 @!p1 $0x0  }
0x14: {  	s2 =	sld [smem:$0x3F9B];
	s0 =	simm.s32 @p1 $0x1  }
0x15: {  	[smem:$0x3FB8] =	sst s0;
	s0 =	simm.s32 @!p2 $0x0  }
0x16: {  	s3 =	sld [smem:$0x3FDB];
	s0 =	simm.s32 @p2 $0x1  }
0x17: {  	s4 =	simm.s32 $0x1BF5;
	[smem:$0x3FBA] =	sst s0  }
0x18: {  	s0 =	sld [smem:$0x3F9D];
	_ =	swait.ge [sflag:s4], $0x0  }
0x19: {  	s7 =	sld [smem:$0x3F9E]  }
0x1a: {  	s8 =	sadd.s32 $0xFFFFE003, lr  }
0x1b: {  	s9 =	sadd.s32 $0xFFFFFEF7, lr;
	s5 =	simm.s32 $0xFFFFFFFF;
	p2 =	slt.u32 s8, $0xFFFFF086  }
0x1c: {  	p1 =	slt.u32 s9, $0xF7A;
	s5 =	simm.s32 @!p2 $0x0  }
0x1d: {  	s5 =	simm.s32 @p1 $0x1;
	p0 =	seq.s32 s7, s2  }
0x1e: {  	s7 =	smul.u32 @!p0 $0xF7A, s2;
	p2 =	seq.s32 @!p0 s5, $0x0  }
0x1f: {  	s9 =	smul.u32 $0xF7A, s1;
	s8 =	simm.s32 @!p0 $0x1BF5;
	p2 =	por !p2, p0  }
0x20: {  	[sflag:s8] =	ssyncset.s32 @!p0 $0xFFFFF086;
	s6 =	sadd.s32 @!p0 s3, s7;
	s7 =	simm.s32 @!p0 $0x108  }
0x21: {  	s3 =	sadd.s32 s3, s9;
	s6 =	sadd.s32 @!p0 $0x88, s6;
	s7 =	simm.s32 @p2 $0x1082  }
0x22: {  	[simem:s7], [sflag:s8] =	dma.local @!p0 [hbm:s6], $0xF7A  }
0x23: {  	s9 =	sor.u32 $0xD0000000, s2;
	s6 =	simm.s32 $0x108;
	_ =	swait.ge @!p0 [sflag:s8], $0x0  }
0x24: {  	s3 =	sadd.s32 $0x88, s3;
	s6 =	simm.s32 @!p1 $0x1082;
	[sflag:s4] =	ssyncset.s32 $0xFFFFF086  }
0x25: {  	[simem:s6], [sflag:s4] =	dma.local [hbm:s3], $0xF7A  }
0x26: {  	[smem:$0x3F9E] =	sst s1;
	(tag) =	ssettag s2;
	_ =	strace s9  }
0x27: {  	s1 =	sld [smem:$0x3FAE]  }
0x28: {  	s2 =	sld [smem:$0x3FAF]  }
0x29: {  	s4 =	sld [smem:$0x3FB1]  }
0x2a: {  	p0 =	seq.s32 s5, $0x0;
	s5 =	sld [smem:$0x3FB2]  }
0x2b: {  	s6 =	sld [smem:$0x3FB3]  }
0x2c: {  	s7 =	sld [smem:$0x3FB4]  }
0x2d: {  	s3 =	simm.s32 $0x108;
	s8 =	sld [smem:$0x3FB5]  }
0x2e: {  	s3 =	simm.s32 @!p0 $0x1082;
	s9 =	sld [smem:$0x3FB6]  }
0x2f: {  	lr =	sadd.s32 s0, s3;
	s0 =	sld [smem:$0x3FAD]  }
0x30: {  	s3 =	sld [smem:$0x3FB0]  }
0x31: {  	[smem:$0x3FB9] =	sst s10  }
0x32: {  	s10 =	sld [smem:$0x3FB7];
	_ =	sdelay $0x3  }
0x33: {  	p0 =	seq.s32 s10, $0x1;
	s10 =	sld [smem:$0x3FB9];
	_ =	sdelay $0x3  }
0x34: {  	[smem:$0x3FB9] =	sst s10  }
0x35: {  	s10 =	sld [smem:$0x3FB8];
	_ =	sdelay $0x3  }
0x36: {  	p1 =	seq.s32 s10, $0x1;
	s10 =	sld [smem:$0x3FB9];
	_ =	sdelay $0x3  }
0x37: {  	[smem:$0x3FB9] =	sst s10  }
0x38: {  	s10 =	sld [smem:$0x3FBA]  }
0x39: {  	_ = 	snop;
	(pc) =	sbr.ind lr, $3  }
0x3a: {  	_ = 	snop  }
0x3b: {  	_ = 	snop  }
0x3c: {  	p2 =	seq.s32 s10, $0x1;
	s10 =	sld [smem:$0x3FB9]  }
0x3d: {  	_ =	shalt  }
0x3e: {  	_ =	shalt  }
0x3f: {  	_ =	shalt  }
0x40: {  	_ =	shalt  }
0x41: {  	_ =	shalt  }
0x42: {  	_ =	shalt  }
0x43: {  	_ =	shalt  }
0x44: {  	_ =	shalt  }
0x45: {  	_ =	shalt  }
0x46: {  	_ =	shalt  }
0x47: {  	_ =	shalt  }
0x48: {  	_ =	shalt  }
0x49: {  	_ =	shalt  }
0x4a: {  	_ =	shalt  }
0x4b: {  	_ =	shalt  }
0x4c: {  	_ =	shalt  }
0x4d: {  	_ =	shalt  }
0x4e: {  	_ =	shalt  }
0x4f: {  	_ =	shalt  }
0x50: {  	_ =	shalt  }
0x51: {  	_ =	shalt  }
0x52: {  	_ =	shalt  }
0x53: {  	_ =	shalt  }
0x54: {  	_ =	shalt  }
0x55: {  	_ =	shalt  }
0x56: {  	_ =	shalt  }
0x57: {  	_ =	shalt  }
0x58: {  	_ =	shalt  }
0x59: {  	_ =	shalt  }
0x5a: {  	_ =	shalt  }
0x5b: {  	_ =	shalt  }
0x5c: {  	_ =	shalt  }
0x5d: {  	_ =	shalt  }
0x5e: {  	_ =	shalt  }
0x5f: {  	_ =	shalt  }
0x60: {  	_ =	shalt  }
0x61: {  	_ =	shalt  }
0x62: {  	_ =	shalt  }
0x63: {  	_ =	shalt  }
0x64: {  	_ =	shalt  }
0x65: {  	_ =	shalt  }
0x66: {  	_ =	shalt  }
0x67: {  	_ =	shalt  }
0x68: {  	_ =	shalt  }
0x69: {  	_ =	shalt  }
0x6a: {  	_ =	shalt  }
0x6b: {  	_ =	shalt  }
0x6c: {  	_ =	shalt  }
0x6d: {  	_ =	shalt  }
0x6e: {  	_ =	shalt  }
0x6f: {  	_ =	shalt  }
0x70: {  	_ =	shalt  }
0x71: {  	_ =	shalt  }
0x72: {  	_ =	shalt  }
0x73: {  	_ =	shalt  }
0x74: {  	_ =	shalt  }
0x75: {  	_ =	shalt  }
0x76: {  	_ =	shalt  }
0x77: {  	_ =	shalt  }
0x78: {  	_ =	shalt  }
0x79: {  	_ =	shalt  }
0x7a: {  	_ =	shalt  }
0x7b: {  	_ =	shalt  }
0x7c: {  	_ =	shalt  }
0x7d: {  	_ =	shalt  }
0x7e: {  	_ =	shalt  }
0x7f: {  	_ =	shalt  }
0x80: {  	_ =	shalt  }
0x81: {  	_ =	shalt  }
0x82: {  	_ =	shalt  }
0x83: {  	_ =	shalt  }
0x84: {  	_ =	shalt  }
0x85: {  	_ =	shalt  }
0x86: {  	_ =	shalt  }
0x87: {  	_ =	shalt  }
.Lfunc_end0:
.L_simem_size_0:
called_computation_lowered:
.L_overlay_start_0:
0x88: {  	s0 =	sld [smem:$0x3FD9]  }
0x89: {  	s1 =	sld [smem:$0x3FFE];
	_ =	sdelay $0x3  }
0x8a: {  	s0 =	sadd.s32 s1, s0  }
0x8b: {  	[smem:$0x3FC5] =	sst s0  }
0x8c: {  	_ = 	snop  }
0x8d: {  	s0 =	sld [smem:$0x3FD0];
	(tm) =	ssettm $0x1  }
0x8e: {  	s16 =	sld [smem:$0x3FFB];
	_ =	sdelay $0x3  }
0x8f: {  	_ =	strace s16  }
0x90: {  	s1 =	sld [smem:$0x3FFC];
	_ =	sdelay $0x3  }
0x91: {  	_ =	strace s1  }
0x92: {  	s1 =	sld [smem:$0x3FFD];
	_ =	sdelay $0x3  }
0x93: {  	_ =	strace s1  }
0x94: {  	_ =	strace $0x8FFFFFFF  }
0x95: {  	s17 =	sld [smem:$0x3FDB];
	_ =	sdelay $0x1  }
0x96: {  	s2 =	simm.s32 $_scs_section_size  }
0x97: {  	s3 =	simm.s32 $_size__tile_overlayer_lowered;
	s4 =	simm.s32 $_tile_overlayer_lowered  }
0x98: {  	s20 =	simm.s32 $0x1BFF;
	s19 =	sshll.u32 s4, $0x1;
	s1 =	sadd.s32 s2, s17  }
0x99: {  	s5 =	simm.s32 $0x0;
	s18 =	sshll.u32 s3, $0x1;
	s3 =	sadd.s32 s19, s1  }
0x9a: {  	[timem:s5], [sflag:s20] =	dma.local [hbm:s3], s18  }
0x9b: {  	_ =	swait.ge [sflag:s20], s18  }
0x9c: {  	s2 =	ssub.s32 $0x0, s18;
	[sflag:s20] =	ssyncset.done $0x0  }
0x9d: {  	[sflag:s20] =	ssyncadd.s32 s2;
	_ =	sdelay $0x1  }
0x9e: {  	s21 =	simm.s32 $0x1B8B  }
0x9f: {  	_ =	swait.ge [sflag:s21], $0x1  }
0xa0: {  	[sflag:s21] =	ssyncset.done $0x0  }
0xa1: {  	s23 =	simm.s32 $0x1B8E;
	s22 =	sld [smem:$0x3FFE];
	[sflag:s21] =	ssyncadd.s32 $0xFFFFFFFF  }
0xa2: {  	s24 =	simm.s32 $execute0_lowered;
	[smem:$0x3FD2] =	sst s23  }
0xa3: {  	s3 =	sshll.u32 s24, $0x1;
	_ =	strace $0x80000046;
	[dreg:$0x1] =	wrdreg $0xFFFFFFFF  }
0xa4: {  	s25 =	simm.s32 $_size_execute0_lowered;
	s1 =	sadd.s32 s1, s3;
	[dreg:$0x0] =	wrdreg $0x0  }
0xa5: {  	s3 =	sshll.u32 s25, $0x1;
	[dreg:$0x2] =	wrdreg s1  }
0xa6: {  	[dreg:$0x3] =	wrdreg s3  }
0xa7: {  	[dreg:$0x4] =	wrdreg $0xC0  }
0xa8: {  	_ =	task [dreg:s5], $0x5FFFF  }
0xa9: {  	[dreg:$0x1] =	wrdreg $0xFFFFFFFF  }
0xaa: {  	[dreg:$0x0] =	wrdreg $0x60  }
0xab: {  	[dreg:$0x2] =	wrdreg s22  }
0xac: {  	[dreg:$0x3] =	wrdreg s0  }
0xad: {  	[dreg:$0x4] =	wrdreg $0x9  }
0xae: {  	_ =	task.clear_ibuf [dreg:s5], $0x5FFFF;
	_ =	strace $0x90000046  }
0xaf: {  	s26 =	simm.s32 $0x9;
	_ =	strace $0x80000048  }
0xb0: {  	_ =	swait.ge [sflag:s26], $0x1  }
0xb1: {  	[sflag:s26] =	ssyncadd.s32 $0xFFFFFFFF  }
0xb2: {  	_ =	strace $0x90000048  }
0xb3: {  	_ =	sfence  }
0xb4: {  	s28 =	sld [smem:$0x0];
	_ =	sdelay $0x1  }
0xb5: {  	s29 =	srdreg.scid  }
0xb6: {  	s30 =	sshll.u32 s29, $0xD;
	s31 =	sshrl.u32 s29, $0x2  }
0xb7: {  	s2 =	sand.u32 $0x4000, s30;
	s1 =	sand.u32 $0x1, s29;
	s0 =	sadd.s32 s31, s28  }
0xb8: {  	s1 =	sor.u32 s2, s1;
	s0 =	sshll.u32 s0, $0x11  }
0xb9: {  	s0 =	sor.u32 s0, s1  }
0xba: {  	s0 =	sadd.s32 $0x8F2B, s0  }
0xbb: {  	[sflag:s0] =	ssyncadd.remote.s32 $0x1  }
0xbc: {  	_ =	sfence.sel $0xFFFF  }
0xbd: {  	[dreg:$0x0] =	wrdreg $0xFFFFFFFF;
	(pc) =	sbr.abs _section_cstart, $3  }
0xbe: {  	[dreg:$0x1] =	wrdreg $0xFFFFFFFF  }
0xbf: {  	_ =	task.clear_ibuf [dreg:s5], $0x2FFFF;
	_ =	strace $0x9FFFFFFF  }
0xc0: {  	(tm) =	ssettm $0x7FFFFFFF  }
0xc1: {  	_ =	shalt  }
tec
execute0_lowered:
.L_overlay_start_1:
0x0: {  	(tag) =	ssettag $0x1  }
0x1: {  	s5 =	rddreg [dreg:$0x0]  }
0x2: {  	s0 =	stileid.u32;
	s2 =	rddreg [dreg:$0x1]  }
0x3: {  	s1 =	rddreg [dreg:$0x2];
	s4 =	simm.s32 $0x0;
	s3 =	smul.u32 $0x2710, s0  }
0x4: {  	[smem:$0x7FF] =	sst s4  }
0x5: {  	s6 =	sadd.s32 $0xA800, s5;
	_ =	strace $0x80000047;
	s3 =	sshrl.u32 s3, $0x3  }
0x6: {  	[tilespmem:s4], [sflag:$0x1] =	stream.linear.gather [hbm4b:s6+s4], $0x2780, $0x38;
	[tilespmem:$0x9E00] =	vst v63  }
0x7: {  	s5 =	sadd.s32 s3, s5  }
0x8: {  	s7 =	simm.s32 $0x2780;
	s25 =	sadd.s32 $0xA00, s5  }
0x9: {  	[tilespmem:s7], [sflag:$0x1] =	stream.linear.gather [hbm4b:s25+s4], $0x2710, $0x38;
	[tilespmem:$0x9E00] =	vst v63  }
0xa: {  	s26 =	simm.s32 $0x4F00;
	s28 =	simm.s32 $0x1;
	s5 =	sadd.s32 $0x5820, s5  }
0xb: {  	[tilespmem:s26], [sflag:$0x1] =	stream.linear.gather [hbm4b:s5+s4], $0x2710, $0x38;
	[tilespmem:$0x9E00] =	vst v63  }
0xc: {  	_ =	swait.ge [sflag:s28], $0x2780  }
0xd: {  	[sflag:s28] =	ssyncset.done $0x0  }
0xe: {  	[sflag:s28] =	ssyncadd.s32 $0xFFFFD880  }
0xf: {  	_ =	swait.ge [sflag:s28], $0x2710  }
0x10: {  	[sflag:s28] =	ssyncset.done $0x0  }
0x11: {  	[sflag:s28] =	ssyncadd.s32 $0xFFFFD8F0  }
0x12: {  	_ =	swait.ge [sflag:s28], $0x2710  }
0x13: {  	[sflag:s28] =	ssyncset.done $0x0  }
0x14: {  	s29 =	simm.s32 $0x27C0;
	[sflag:s28] =	ssyncadd.s32 $0xFFFFD8F0  }
0x15: {  	s30 =	simm.s32 $0x4F40;
	v0 =	vld [tilespmem:s29+$0x30]  }
0x16: {  	v1 =	vld [tilespmem:s30+$0x30]  }
0x17: {  	v2 =	vld [tilespmem:s30+$0xFFFFFFC0]  }
0x18: {  	v3 =	vld [tilespmem:s29+$0xFFFFFFD0]  }
0x19: {  	v4 =	vld [tilespmem:s30+$0xFFFFFFD0]  }
0x1a: {  	v5 =	vld [tilespmem:s29+$0xFFFFFFE0]  }
0x1b: {  	v6 =	vld [tilespmem:s30+$0xFFFFFFE0]  }
0x1c: {  	v7 =	vld [tilespmem:s29+$0xFFFFFFF0]  }
0x1d: {  	v8 =	vld [tilespmem:s30+$0xFFFFFFF0]  }
0x1e: {  	v9 =	vld [tilespmem:s29+$0x0]  }
0x1f: {  	v0 =	vld.idx.msk [tilespmem:v0+s4+$0x0], $0xffff  }
0x20: {  	v1 =	vld.idx.msk [tilespmem:v1+s4+$0x0], $0xffff  }
0x21: {  	v10 =	vld [tilespmem:s30+$0x0]  }
0x22: {  	v11 =	vld [tilespmem:s29+$0x10]  }
0x23: {  	v12 =	vld [tilespmem:s30+$0x10]  }
0x24: {  	v15 =	vld [tilespmem:s29+$0xFFFFFFC0]  }
0x25: {  	v13 =	vld [tilespmem:s29+$0x20];
	v0 =	vsub.f32 v1, v0  }
0x26: {  	v14 =	vld [tilespmem:s30+$0x20]  }
0x27: {  	v1 =	vld.idx.msk [tilespmem:v2+s4+$0x0], $0xffff;
	v0 =	vmul.f32 $1.442695020e+00, v0  }
0x28: {  	v2 =	vld.idx.msk [tilespmem:v3+s4+$0x0], $0xffff  }
0x29: {  	v3 =	vld.idx.msk [tilespmem:v4+s4+$0x0], $0xffff;
	(erf) = vpow2.f32 v0  }
0x2a: {  	v4 =	vld.idx.msk [tilespmem:v5+s4+$0x0], $0xffff  }
0x2b: {  	v5 =	vld.idx.msk [tilespmem:v7+s4+$0x0], $0xffff  }
0x2c: {  	v7 =	vld.idx.msk [tilespmem:v15+s4+$0x0], $0xffff  }
0x2d: {  	v0 =	vld.idx.msk [tilespmem:v6+s4+$0x0], $0xffff  }
0x2e: {  	v6 =	vld.idx.msk [tilespmem:v8+s4+$0x0], $0xffff  }
0x2f: {  	v8 =	vld.idx.msk [tilespmem:v9+s4+$0x0], $0xffff  }
0x30: {  	v9 =	vld.idx.msk [tilespmem:v10+s4+$0x0], $0xffff;
	v2 =	vsub.f32 v3, v2  }
0x31: {  	v52 =	vld.idx.msk [tilespmem:v14+s4+$0x0], $0xffff  }
0x32: {  	v10 =	vld.idx.msk [tilespmem:v11+s4+$0x0], $0xffff;
	v2 =	vmul.f32 $1.442695020e+00, v2;
	v0 =	vsub.f32 v0, v4;
	v4 =	vpop (erf)  }
0x33: {  	v11 =	vld.idx.msk [tilespmem:v13+s4+$0x0], $0xffff;
	v5 =	vsub.f32 v6, v5;
	v4 =	vadd.f32 $1.000000000e+00, v4  }
0x34: {  	s31 =	simm.s32 $0x2840;
	v3 =	vld.idx.msk [tilespmem:v12+s4+$0x0], $0xffff;
	v1 =	vsub.f32 v1, v7;
	v0 =	vmul.f32 $1.442695020e+00, v0;
	(erf) = vpow2.f32 v2  }
0x35: {  	s5 =	simm.s32 $0x4FC0;
	v6 =	vld [tilespmem:s31+$0x30];
	(erf) = vrcp.f32 v4;
	v4 =	vmul.f32 $1.442695020e+00, v5;
	v5 =	vsub.f32 v9, v8  }
0x36: {  	v2 =	vld [tilespmem:s5+$0x30];
	(erf) = vpow2.f32 v0;
	v0 =	vmul.f32 $1.442695020e+00, v1  }
0x37: {  	v54 =	vld [tilespmem:s5+$0x0];
	(erf) = vpow2.f32 v4;
	v4 =	vmul.f32 $1.442695020e+00, v5  }
0x38: {  	v56 =	vld [tilespmem:s31+$0x10];
	(erf) = vpow2.f32 v0  }
0x39: {  	v16 =	vld [tilespmem:s5+$0x10];
	v3 =	vsub.f32 v3, v10;
	(erf) = vpow2.f32 v4  }
0x3a: {  	v17 =	vld [tilespmem:s31+$0x20];
	v8 =	vsub.f32 v52, v11  }
0x3b: {  	v60 =	vld [tilespmem:s5+$0x20];
	v3 =	vmul.f32 $1.442695020e+00, v3  }
0x3c: {  	v61 =	vld [tilespmem:s31+$0xFFFFFFC0];
	v8 =	vmul.f32 $1.442695020e+00, v8  }
0x3d: {  	(erf) = vpow2.f32 v3;
	v3 =	vld.idx.msk [tilespmem:v6+s4+$0x0], $0xffff;
	v6 =	vpop (erf)  }
0x3e: {  	v2 =	vld.idx.msk [tilespmem:v2+s4+$0x0], $0xffff;
	(erf) = vpow2.f32 v8;
	v10 =	vpop (erf)  }
0x3f: {  	v1 =	vld [tilespmem:s31+$0xFFFFFFD0];
	v53 =	vpop (erf)  }
0x40: {  	v5 =	vld [tilespmem:s5+$0xFFFFFFD0];
	v6 =	vadd.f32 $1.000000000e+00, v6;
	v55 =	vpop (erf)  }
0x41: {  	v7 =	vld [tilespmem:s5+$0xFFFFFFC0];
	v57 =	vpop (erf)  }
0x42: {  	v4 =	vld [tilespmem:s5+$0xFFFFFFE0];
	(erf) = vrcp.f32 v6;
	v12 =	vadd.f32 $1.000000000e+00, v53;
	v6 =	vadd.f32 $1.000000000e+00, v55;
	v59 =	vpop (erf)  }
0x43: {  	v0 =	vld [tilespmem:s31+$0xFFFFFFE0];
	v2 =	vsub.f32 v2, v3;
	v3 =	vadd.f32 $1.000000000e+00, v59  }
0x44: {  	v9 =	vld [tilespmem:s31+$0xFFFFFFF0];
	(erf) = vrcp.f32 v12;
	v58 =	vadd.f32 $1.000000000e+00, v57  }
0x45: {  	v11 =	vld [tilespmem:s31+$0x0];
	(erf) = vrcp.f32 v6  }
0x46: {  	v8 =	vld [tilespmem:s5+$0xFFFFFFF0];
	v2 =	vmul.f32 $1.442695020e+00, v2;
	(erf) = vrcp.f32 v58;
	v6 =	vpop (erf)  }
0x47: {  	v1 =	vld.idx.msk [tilespmem:v1+s4+$0x0], $0xffff;
	(erf) = vrcp.f32 v3;
	v6 =	vadd.f32 $1.000000000e+00, v6;
	v3 =	vpop (erf)  }
0x48: {  	(erf) = vpow2.f32 v2;
	v2 =	vadd.f32 $1.000000000e+00, v3;
	v3 =	vld.idx.msk [tilespmem:v5+s4+$0x0], $0xffff  }
0x49: {  	v7 =	vld.idx.msk [tilespmem:v7+s4+$0x0], $0xffff;
	(erf) = vrcp.f32 v6  }
0x4a: {  	v4 =	vld.idx.msk [tilespmem:v4+s4+$0x0], $0xffff;
	(erf) = vrcp.f32 v2  }
0x4b: {  	v5 =	vld.idx.msk [tilespmem:v0+s4+$0x0], $0xffff  }
0x4c: {  	s6 =	simm.s32 $0x76C0;
	v9 =	vld.idx.msk [tilespmem:v9+s4+$0x0], $0xffff;
	v0 =	vpop (erf)  }
0x4d: {  	[tilespmem:s6+$0x30] =	vst v10;
	v10 =	vld.idx.msk [tilespmem:v61+s4+$0x0], $0xffff;
	v2 =	vpop (erf);
	v1 =	vsub.f32 v3, v1  }
0x4e: {  	v8 =	vld.idx.msk [tilespmem:v8+s4+$0x0], $0xffff;
	[tilespmem:s6+$0xFFFFFFD0] =	vst v0;
	v6 =	vpop (erf)  }
0x4f: {  	v0 =	vld.idx.msk [tilespmem:v11+s4+$0x0], $0xffff;
	[tilespmem:s6+$0xFFFFFFE0] =	vst v2;
	v62 =	vpop (erf);
	v11 =	vmul.f32 $1.442695020e+00, v1  }
0x50: {  	v2 =	vld.idx.msk [tilespmem:v54+s4+$0x0], $0xffff;
	v4 =	vsub.f32 v4, v5;
	[tilespmem:s6+$0xFFFFFFF0] =	vst v6;
	v3 =	vpop (erf)  }
0x51: {  	[tilespmem:s6+$0xFFFFFFC0] =	vst v62;
	v1 =	vld.idx.msk [tilespmem:v56+s4+$0x0], $0xffff;
	v5 =	vpop (erf)  }
0x52: {  	v6 =	vmul.f32 $1.442695020e+00, v4;
	v4 =	vld.idx.msk [tilespmem:v17+s4+$0x0], $0xffff;
	[tilespmem:s6+$0x0] =	vst v3;
	v63 =	vadd.f32 $1.000000000e+00, v5;
	v5 =	vpop (erf)  }
0x53: {  	v8 =	vsub.f32 v8, v9;
	v3 =	vld.idx.msk [tilespmem:v16+s4+$0x0], $0xffff;
	(erf) = vpow2.f32 v11;
	[tilespmem:s6+$0x10] =	vst v5;
	v11 =	vpop (erf)  }
0x54: {  	s8 =	simm.s32 $0x28C0;
	s7 =	simm.s32 $0x8;
	v7 =	vsub.f32 v7, v10;
	v5 =	vld.idx.msk [tilespmem:v60+s4+$0x0], $0xffff;
	(erf) = vrcp.f32 v63;
	[tilespmem:s6+$0x20] =	vst v11  }
.LBB2_1:
0x55: {  	v9 =	vld [tilespmem:s8+$0x30];
	v8 =	vmul.f32 $1.442695020e+00, v8;
	s5 =	sadd.s32 $0x80, s5;
	(erf) = vpow2.f32 v6  }
0x56: {  	s7 =	sadd.s32 $0x8, s7;
	v0 =	vsub.f32 v2, v0;
	v6 =	vld [tilespmem:s5+$0x30];
	v7 =	vmul.f32 $1.442695020e+00, v7  }
0x57: {  	p0 =	slt.u32 s7, $0x268;
	v2 =	vld [tilespmem:s5+$0xFFFFFFC0];
	(erf) = vpow2.f32 v8  }
0x58: {  	v0 =	vmul.f32 $1.442695020e+00, v0;
	v1 =	vsub.f32 v3, v1;
	v8 =	vld [tilespmem:s8+$0xFFFFFFD0];
	(erf) = vpow2.f32 v7  }
0x59: {  	v3 =	vld [tilespmem:s5+$0xFFFFFFD0]  }
0x5a: {  	v1 =	vmul.f32 $1.442695020e+00, v1;
	v4 =	vsub.f32 v5, v4;
	v7 =	vld [tilespmem:s8+$0xFFFFFFE0];
	(erf) = vpow2.f32 v0  }
0x5b: {  	v0 =	vld [tilespmem:s5+$0xFFFFFFE0]  }
0x5c: {  	v4 =	vmul.f32 $1.442695020e+00, v4;
	v5 =	vld [tilespmem:s8+$0xFFFFFFF0];
	v10 =	vpop (erf);
	(erf) = vpow2.f32 v1  }
0x5d: {  	s6 =	sadd.s32 $0x80, s6;
	v1 =	vld.idx.msk [tilespmem:v9+s4+$0x0], $0xffff;
	v9 =	vadd.f32 $1.000000000e+00, v10;
	v10 =	vpop (erf)  }
0x5e: {  	v6 =	vld.idx.msk [tilespmem:v6+s4+$0x0], $0xffff;
	[tilespmem:s6+$0x30] =	vst v10;
	v10 =	vpop (erf);
	(erf) = vpow2.f32 v4  }
0x5f: {  	v4 =	vld [tilespmem:s5+$0xFFFFFFF0];
	v10 =	vadd.f32 $1.000000000e+00, v10;
	(erf) = vrcp.f32 v9  }
0x60: {  	v9 =	vld [tilespmem:s8+$0x0];
	v11 =	vpop (erf)  }
0x61: {  	v12 =	vld [tilespmem:s5+$0x0];
	v15 =	vadd.f32 $1.000000000e+00, v11;
	v13 =	vpop (erf);
	(erf) = vrcp.f32 v10  }
0x62: {  	v10 =	vld [tilespmem:s8+$0x10];
	v16 =	vadd.f32 $1.000000000e+00, v13  }
0x63: {  	v14 =	vld [tilespmem:s5+$0x10];
	(erf) = vrcp.f32 v15;
	v11 =	vpop (erf)  }
0x64: {  	v1 =	vsub.f32 v6, v1;
	v15 =	vld [tilespmem:s8+$0x20];
	v6 =	vadd.f32 $1.000000000e+00, v11;
	(erf) = vrcp.f32 v16  }
0x65: {  	v11 =	vld [tilespmem:s5+$0x20];
	v13 =	vpop (erf)  }
0x66: {  	v1 =	vmul.f32 $1.442695020e+00, v1;
	v16 =	vld [tilespmem:s8+$0xFFFFFFC0];
	v13 =	vadd.f32 $1.000000000e+00, v13;
	(erf) = vrcp.f32 v6  }
0x67: {  	v17 =	vld.idx.msk [tilespmem:v2+s4+$0x0], $0xffff;
	v2 =	vpop (erf)  }
0x68: {  	v6 =	vld.idx.msk [tilespmem:v8+s4+$0x0], $0xffff;
	(erf) = vpow2.f32 v1;
	v1 =	vadd.f32 $1.000000000e+00, v2;
	v2 =	vpop (erf)  }
0x69: {  	v3 =	vld.idx.msk [tilespmem:v3+s4+$0x0], $0xffff;
	[tilespmem:s6+$0xFFFFFFD0] =	vst v2;
	(erf) = vrcp.f32 v13  }
0x6a: {  	v7 =	vld.idx.msk [tilespmem:v7+s4+$0x0], $0xffff;
	v2 =	vpop (erf);
	(erf) = vrcp.f32 v1  }
0x6b: {  	v1 =	vld.idx.msk [tilespmem:v0+s4+$0x0], $0xffff;
	[tilespmem:s6+$0xFFFFFFE0] =	vst v2  }
0x6c: {  	v5 =	vld.idx.msk [tilespmem:v5+s4+$0x0], $0xffff;
	v0 =	vpop (erf)  }
0x6d: {  	v4 =	vld.idx.msk [tilespmem:v4+s4+$0x0], $0xffff;
	[tilespmem:s6+$0xFFFFFFF0] =	vst v0;
	v0 =	vpop (erf)  }
0x6e: {  	v13 =	vld.idx.msk [tilespmem:v16+s4+$0x0], $0xffff;
	[tilespmem:s6+$0xFFFFFFC0] =	vst v0  }
0x6f: {  	v3 =	vsub.f32 v3, v6;
	v0 =	vld.idx.msk [tilespmem:v9+s4+$0x0], $0xffff;
	v6 =	vpop (erf)  }
.Ltmp0:
0x70: {  	v2 =	vld.idx.msk [tilespmem:v12+s4+$0x0], $0xffff;
	[tilespmem:s6+$0x0] =	vst v6;
	(pc) =	sbr.rel @p0 .LBB2_1-.Ltmp0, $4  }
0x71: {  	v12 =	vmul.f32 $1.442695020e+00, v3;
	v6 =	vsub.f32 v1, v7;
	v1 =	vld.idx.msk [tilespmem:v10+s4+$0x0], $0xffff;
	v7 =	vpop (erf)  }
0x72: {  	v3 =	vld.idx.msk [tilespmem:v14+s4+$0x0], $0xffff;
	v10 =	vadd.f32 $1.000000000e+00, v7;
	v7 =	vpop (erf)  }
0x73: {  	v6 =	vmul.f32 $1.442695020e+00, v6;
	v8 =	vsub.f32 v4, v5;
	v4 =	vld.idx.msk [tilespmem:v15+s4+$0x0], $0xffff;
	(erf) = vpow2.f32 v12;
	[tilespmem:s6+$0x10] =	vst v7;
	v9 =	vpop (erf)  }
0x74: {  	s8 =	sadd.s32 $0x80, s8;
	v7 =	vsub.f32 v17, v13;
	v5 =	vld.idx.msk [tilespmem:v11+s4+$0x0], $0xffff;
	(erf) = vrcp.f32 v10;
	[tilespmem:s6+$0x20] =	vst v9  }
0x75: {  	_ =	sdelay $0x1  }
0x76: {  	v8 =	vmul.f32 $1.442695020e+00, v8;
	v0 =	vsub.f32 v2, v0  }
0x77: {  	(erf) = vpow2.f32 v6;
	v41 =	vmul.f32 $1.442695020e+00, v7;
	v1 =	vsub.f32 v3, v1  }
0x78: {  	(erf) = vpow2.f32 v8;
	v0 =	vmul.f32 $1.442695020e+00, v0;
	v42 =	vsub.f32 v5, v4  }
0x79: {  	(erf) = vpow2.f32 v41;
	v1 =	vmul.f32 $1.442695020e+00, v1  }
0x7a: {  	(erf) = vpow2.f32 v0;
	v43 =	vmul.f32 $1.442695020e+00, v42  }
0x7b: {  	(erf) = vpow2.f32 v1  }
0x7c: {  	(erf) = vpow2.f32 v43;
	_ =	sdelay $0x1  }
0x7d: {  	v44 =	vpop (erf)  }
0x7e: {  	v45 =	vpop (erf)  }
0x7f: {  	v0 =	vadd.f32 $1.000000000e+00, v44;
	v46 =	vpop (erf)  }
0x80: {  	v2 =	vadd.f32 $1.000000000e+00, v46;
	v47 =	vpop (erf)  }
0x81: {  	(erf) = vrcp.f32 v0;
	v48 =	vadd.f32 $1.000000000e+00, v47;
	v49 =	vpop (erf)  }
0x82: {  	(erf) = vrcp.f32 v2;
	v50 =	vadd.f32 $1.000000000e+00, v49;
	v51 =	vpop (erf)  }
0x83: {  	(erf) = vrcp.f32 v48;
	v52 =	vadd.f32 $1.000000000e+00, v51;
	v53 =	vpop (erf)  }
0x84: {  	(erf) = vrcp.f32 v50;
	v54 =	vadd.f32 $1.000000000e+00, v53;
	v55 =	vpop (erf)  }
0x85: {  	(erf) = vrcp.f32 v52;
	v56 =	vadd.f32 $1.000000000e+00, v55  }
0x86: {  	(erf) = vrcp.f32 v54  }
0x87: {  	(erf) = vrcp.f32 v56;
	_ =	sdelay $0x1  }
0x88: {  	s4 =	sadd.s32 $0x80, s6  }
0x89: {  	[tilespmem:s4+$0x30] =	vst v45;
	v57 =	vpop (erf)  }
0x8a: {  	[tilespmem:s4+$0xFFFFFFD0] =	vst v57;
	v58 =	vpop (erf)  }
0x8b: {  	[tilespmem:s4+$0xFFFFFFE0] =	vst v58;
	v59 =	vpop (erf)  }
0x8c: {  	[tilespmem:s4+$0xFFFFFFF0] =	vst v59;
	v60 =	vpop (erf)  }
0x8d: {  	[tilespmem:s4+$0xFFFFFFC0] =	vst v60;
	v61 =	vpop (erf)  }
0x8e: {  	[tilespmem:s4+$0x0] =	vst v61;
	v62 =	vpop (erf)  }
0x8f: {  	[tilespmem:s4+$0x10] =	vst v62;
	v63 =	vpop (erf)  }
0x90: {  	[tilespmem:s4+$0x20] =	vst v63  }
0x91: {  	v0 =	vld [tilespmem:$0x4E80]  }
0x92: {  	v1 =	vld [tilespmem:$0x7600];
	_ =	sdelay $0x5  }
0x93: {  	s29 =	simm.s32 $0x0  }
0x94: {  	v0 =	vld.idx.msk [tilespmem:v0+s29+$0x0], $0xffff  }
0x95: {  	v1 =	vld.idx.msk [tilespmem:v1+s29+$0x0], $0xffff;
	_ =	sdelay $0x4  }
0x96: {  	v0 =	vsub.f32 v1, v0;
	_ =	sdelay $0x1  }
0x97: {  	v0 =	vmul.f32 $1.442695020e+00, v0;
	_ =	sdelay $0x1  }
0x98: {  	(erf) = vpow2.f32 v0;
	_ =	sdelay $0x8  }
0x99: {  	v0 =	vpop (erf)  }
0x9a: {  	v0 =	vadd.f32 $1.000000000e+00, v0;
	_ =	sdelay $0x1  }
0x9b: {  	(erf) = vrcp.f32 v0;
	_ =	sdelay $0x8  }
0x9c: {  	v0 =	vpop (erf)  }
0x9d: {  	s2 =	sadd.s32 s2, s3;
	s30 =	simm.s32 $0x7680;
	s31 =	simm.s32 $0x2;
	[tilespmem:$0x9D80] =	vst v0  }
0x9e: {  	[hbm4b:s2+s29] =	stream.linear.scatter [tilespmem:s30], [sflag:$0x2], $0x2710, $0x38;
	[tilespmem:$0x9E00] =	vst v63  }
0x9f: {  	_ =	swait.ge [sflag:s31], $0x2710  }
0xa0: {  	[sflag:s31] =	ssyncset.done $0x0  }
0xa1: {  	[sflag:s31] =	ssyncadd.s32 $0xFFFFD8F0  }
0xa2: {  	_ =	sfence.sel $0x180000  }
0xa3: {  	[bflag:$0x0] =	sbarrier.arrive $0xFFFF  }
0xa4: {  	p0 =	sne.s32 s0, $0x0;
	_ =	strace $0x90000047  }
0xa5: {  	s0 =	sadd.s32 @!p0 $0x100000, s1;
	[bflag:$0x2] =	sbarrier.arrive $0xFFFF  }
0xa6: {  	[sflag:s0] =	ssyncadd.tile.s32 @!p0 $0x1;
	_ =	shalt  }
.Lfunc_end2:
_tile_overlayer_lowered:
.L_overlay_start_2:
0xa7: {  	(tag) =	ssettag $0x2  }
0xa8: {  	s0 =	rddreg [dreg:$0x0];
	s2 =	stileid.u32  }
0xa9: {  	s1 =	rddreg [dreg:$0x1];
	p0 =	sne.s32 s2, $0x0  }
0xaa: {  	s3 =	rddreg [dreg:$0x2];
	[bflag:$0x3] =	sbarrier.arrive $0xFFFF;
	s2 =	simm.s32 @!p0 $0x1C02  }
0xab: {  	[timem:s3], [sflag:s2] =	dma.local @!p0 [hbm:s0], s1  }
0xac: {  	s0 =	simm.s32 @!p0 $0x2  }
0xad: {  	_ =	swait.ge @!p0 [sflag:s0], s1  }
0xae: {  	s1 =	ssub.s32 @!p0 $0x0, s1;
	[sflag:s0] =	ssyncset.done @!p0 $0x0  }
0xaf: {  	[sflag:s0] =	ssyncadd.s32 @!p0 s1  }
0xb0: {  	[bflag:$0x3] =	sbarrier.arrive $0xFFFF  }
0xb1: {  	_ =	shalt  }

</sc_bundles>
